<compile_context>
chip_gen: v7x
topology: tpu7x:2x2x1
jax: 0.10.2.dev20260603
libtpu: 0.0.44.dev20260713+nightly
codegen_flags: <defaults>
</compile_context>

<pallas_src>
import functools
import math

import jax
import jax.numpy as jnp
from jax import lax
from jax.experimental import pallas as pl
from jax.experimental.pallas import tpu as pltpu
from jax.experimental.pallas import tpu_sc as plsc

_VOCAB = 1000000
_D = 64
_B = 4096
_S = 200

_NC, _NS = 2, 16
_NW = _NC * _NS
_ROWS = _B * _S
_N_PER_W = _ROWS // _NW
_CHUNK = _S
_NCHW = _N_PER_W // _CHUNK
_NBUF = 2
_OUTER = _NCHW // _NBUF


def _pe_table():
    position = jnp.arange(0.0, _S, dtype=jnp.float32)[:, None]
    div_term = jnp.exp(
        jnp.arange(0, _D, 2, dtype=jnp.float32) * (-(math.log(10000.0) / _D)))
    pe = jnp.zeros((_S, _D), dtype=jnp.float32)
    pe = pe.at[:, 0::2].set(jnp.sin(position * div_term))
    pe = pe.at[:, 1::2].set(jnp.cos(position * div_term))
    return pe


_mesh = plsc.VectorSubcoreMesh(
    core_axis_name="c", subcore_axis_name="s", num_cores=_NC, num_subcores=_NS)


@functools.partial(
    pl.kernel,
    out_type=jax.ShapeDtypeStruct((_B, _S // 2, 2 * _D), jnp.float32),
    mesh=_mesh,
    scratch_types=(
        [
            pltpu.VMEM((_N_PER_W,), jnp.int32),
            pltpu.VMEM((_S, _D), jnp.float32),
        ]
        + [pltpu.VMEM((_CHUNK, 2 * _D), jnp.float32)] * _NBUF
        + [pltpu.VMEM((_CHUNK // 2, 2 * _D), jnp.float32)] * _NBUF
        + [pltpu.SemaphoreType.DMA] * (2 * _NBUF)
    ),
    compiler_params=pltpu.CompilerParams(skip_device_barrier=True),
)
def _embed(table_hbm, idx_hbm, pe_hbm, out_hbm, idx_v, pe_v,
           r0, r1, p0, p1, g0, g1, w0, w1):
    rows = (r0, r1)
    packed = (p0, p1)
    gsem = (g0, g1)
    wsem = (w0, w1)
    wid = lax.axis_index("s") * _NC + lax.axis_index("c")
    base = wid * _N_PER_W
    seq_base = wid * _NCHW
    pltpu.sync_copy(idx_hbm.at[pl.ds(base, _N_PER_W)], idx_v)
    pltpu.sync_copy(pe_hbm, pe_v)

    def gather_copy(c, b):
        return pltpu.make_async_copy(
            table_hbm.at[idx_v.at[pl.ds(c * _CHUNK, _CHUNK)]],
            rows[b], gsem[b])

    for b in range(_NBUF):
        gather_copy(b, b).start()

    def outer(i, carry):
        for b in range(_NBUF):
            c = i * _NBUF + b
            gather_copy(c, b).wait()

            @pl.when(i > 0)
            def _(_b=b):
                pltpu.make_async_copy(
                    packed[_b], out_hbm.at[seq_base], wsem[_b]).wait()

            def add_body(pr, carry2, _b=b):
                for u in range(2):
                    rr = pr * 2 + u
                    for col in range(_D // 16):
                        v = (rows[_b][rr, pl.ds(col * 16, 16)]
                             + pe_v[rr, pl.ds(col * 16, 16)])
                        packed[_b][pr, pl.ds(u * _D + col * 16, 16)] = v
                return carry2

            lax.fori_loop(0, _S // 2, add_body, 0)

            @pl.when(i < _OUTER - 1)
            def _():
                gather_copy(c + _NBUF, b).start()

            pltpu.make_async_copy(
                packed[b], out_hbm.at[seq_base + c], wsem[b]).start()

        return carry

    lax.fori_loop(0, _OUTER, outer, 0)
    for b in range(_NBUF):
        pltpu.make_async_copy(
            packed[b], out_hbm.at[seq_base], wsem[b]).wait()


def kernel(indices, table):
    idx_flat = indices.reshape(_ROWS)
    table_p = jnp.concatenate(
        [table, jnp.zeros((_VOCAB, _D), table.dtype)], axis=1)
    out = _embed(table_p, idx_flat, _pe_table())
    return out.reshape(_B, _S, _D)

# --- scband reference (transcript-rebuilt; emitter-appended) ---
"""Pipeline reference for scband-embedding-40553081208954 (READ-ONLY COPY).

The authoritative reference and input builder live on the scoring server;
editing this copy changes nothing except your own understanding.
"""

import jax, jax.numpy as jnp
import numpy as np
import math

VOCAB = 1000000
D_MODEL = 64
BATCH = 4096
SEQ = 200


def _position_encoding(bs, seq, d_model):
    position = jnp.arange(0.0, seq, dtype=jnp.float32)[:, None]
    div_term = jnp.exp(jnp.arange(0, d_model, 2, dtype=jnp.float32) * (-(math.log(10000.0) / d_model)))
    pe = jnp.zeros((seq, d_model), dtype=jnp.float32)
    pe = pe.at[:, 0::2].set(jnp.sin(position * div_term))
    pe = pe.at[:, 1::2].set(jnp.cos(position * div_term))
    return jnp.broadcast_to(pe[None, :, :], (bs, seq, d_model))


def setup_inputs(seed: int = 0) -> dict:
    key = jax.random.key(seed)
    k1, k2 = jax.random.split(key)
    indices = jax.random.randint(k1, (BATCH, SEQ), 0, VOCAB, dtype=jnp.int32)
    table = jax.random.normal(k2, (VOCAB, D_MODEL), dtype=jnp.float32)
    # padding_idx=0: torch zeroes that row on init in from_pretrained only if the
    # provided weights have it zeroed; we keep weights as-given (faithful).
    return {"indices": indices, "table": table}


def reference(indices, table):
    # WordEncoding: embedding gather
    word = jnp.take(table, indices, axis=0)  # [B, S, D]
    # PositionEncoding: sinusoidal, repeated over batch
    bs, seq = indices.shape
    pos = _position_encoding(bs, seq, D_MODEL)
    out = word + pos
    # Dropout(p=0.1) in eval mode -> identity (deterministic reference)
    return out

if __name__ == "__main__":
    import jax
    _d = setup_inputs()
    print(jax.jit(kernel)(*tuple(_d.values())))

</pallas_src>

<mosaic_0001>
#map = affine_map<(d0, d1) -> (0, 0)>
#map1 = affine_map<(d0, d1) -> (0)>
#map2 = affine_map<(d0, d1) -> (0, 0, 0)>
module attributes {stable_mosaic.version = 14 : i64} {
  func.func @_embed(%arg0: i32, %arg1: i32, %arg2: memref<1000000x128xf32, #tpu.memory_space<hbm>>, %arg3: memref<819200xi32, #tpu.memory_space<hbm>>, %arg4: memref<200x64xf32, #tpu.memory_space<hbm>>, %arg5: memref<4096x100x128xf32, #tpu.memory_space<hbm>>, %arg6: memref<25600xi32, #tpu.memory_space<vmem>>, %arg7: memref<200x64xf32, #tpu.memory_space<vmem>>, %arg8: memref<200x128xf32, #tpu.memory_space<vmem>>, %arg9: memref<200x128xf32, #tpu.memory_space<vmem>>, %arg10: memref<100x128xf32, #tpu.memory_space<vmem>>, %arg11: memref<100x128xf32, #tpu.memory_space<vmem>>, %arg12: memref<!tpu.dma_semaphore, #tpu.memory_space<semaphore_mem>>, %arg13: memref<!tpu.dma_semaphore, #tpu.memory_space<semaphore_mem>>, %arg14: memref<!tpu.dma_semaphore, #tpu.memory_space<semaphore_mem>>, %arg15: memref<!tpu.dma_semaphore, #tpu.memory_space<semaphore_mem>>) attributes {dimension_semantics = [#tpu.dimension_semantics<core_parallel>, #tpu.dimension_semantics<subcore_parallel>], iteration_bounds = array<i64: 2, 16>, scalar_prefetch = 0 : i64, scratch_operands = 10 : i64, tpu.core_type = #tpu.core_type<sc_vector_subcore>, window_params = [{transform_indices = #map}, {transform_indices = #map1}, {transform_indices = #map}, {transform_indices = #map2}]} {
    %mul3A = arith.constant 2 : i32
    %mul3A_0 = arith.muli %arg1, %mul3A : i32
    %add3A = arith.addi %mul3A_0, %arg0 : i32
    %mul3A_1 = arith.constant 25600 : i32
    %mul3A_2 = arith.muli %add3A, %mul3A_1 : i32
    %mul3A_3 = arith.constant 128 : i32
    %mul3A_4 = arith.muli %add3A, %mul3A_3 : i32
    "tpu.region"() ({
      %run_scoped3A = tpu.sem_alloc : memref<!tpu.dma_semaphore, #tpu.memory_space<semaphore_mem>>
      %dma_start3A_34 = tpu.memref_slice %arg3[%mul3A_2] : memref<819200xi32, #tpu.memory_space<hbm>> -> memref<25600xi32, #tpu.memory_space<hbm>>
      %dma_start3A_35 = tpu.memref_slice %arg3[%mul3A_2] : memref<819200xi32, #tpu.memory_space<hbm>> -> memref<25600xi32, #tpu.memory_space<hbm>>
      tpu.enqueue_dma source(%dma_start3A_35 : memref<25600xi32, #tpu.memory_space<hbm>>) target(%arg6 : memref<25600xi32, #tpu.memory_space<vmem>>) target_semaphore(%run_scoped3A : memref<!tpu.dma_semaphore, #tpu.memory_space<semaphore_mem>>)
      %dma_wait3A_36 = tpu.memref_slice %arg3[%mul3A_2] : memref<819200xi32, #tpu.memory_space<hbm>> -> memref<25600xi32, #tpu.memory_space<hbm>>
      %dma_wait3A_37 = tpu.memref_slice %arg3[%mul3A_2] : memref<819200xi32, #tpu.memory_space<hbm>> -> memref<25600xi32, #tpu.memory_space<hbm>>
      tpu.wait_dma2 semaphore(%run_scoped3A : memref<!tpu.dma_semaphore, #tpu.memory_space<semaphore_mem>>) src(%dma_wait3A_37 : memref<25600xi32, #tpu.memory_space<hbm>>) dst(%arg6 : memref<25600xi32, #tpu.memory_space<vmem>>)
      tpu.yield
    }) : () -> ()
    "tpu.region"() ({
      %run_scoped3A = tpu.sem_alloc : memref<!tpu.dma_semaphore, #tpu.memory_space<semaphore_mem>>
      tpu.enqueue_dma source(%arg4 : memref<200x64xf32, #tpu.memory_space<hbm>>) target(%arg7 : memref<200x64xf32, #tpu.memory_space<vmem>>) target_semaphore(%run_scoped3A : memref<!tpu.dma_semaphore, #tpu.memory_space<semaphore_mem>>)
      tpu.wait_dma2 semaphore(%run_scoped3A : memref<!tpu.dma_semaphore, #tpu.memory_space<semaphore_mem>>) src(%arg4 : memref<200x64xf32, #tpu.memory_space<hbm>>) dst(%arg7 : memref<200x64xf32, #tpu.memory_space<vmem>>)
      tpu.yield
    }) : () -> ()
    %dma_start3A = arith.constant 0 : i32
    %dma_start3A_5 = tpu.memref_slice %arg6[%dma_start3A] : memref<25600xi32, #tpu.memory_space<vmem>> -> memref<200xi32, #tpu.memory_space<vmem>>
    %dma_start3A_6 = arith.constant 0 : i32
    %dma_start3A_7 = arith.constant 0 : i32
    %dma_start3A_8 = tpu.memref_slice %arg2[%dma_start3A_6, %dma_start3A_7] : memref<1000000x128xf32, #tpu.memory_space<hbm>> -> memref<1000000x128xf32, #tpu.memory_space<hbm>>
    tpu.enqueue_indirect_dma source(%dma_start3A_8 : memref<1000000x128xf32, #tpu.memory_space<hbm>>) target(%arg8 : memref<200x128xf32, #tpu.memory_space<vmem>>) offsets(%dma_start3A_5 : memref<200xi32, #tpu.memory_space<vmem>>) semaphore(%arg12 : memref<!tpu.dma_semaphore, #tpu.memory_space<semaphore_mem>>)
    %dma_start3A_9 = arith.constant 200 : i32
    %dma_start3A_10 = tpu.memref_slice %arg6[%dma_start3A_9] : memref<25600xi32, #tpu.memory_space<vmem>> -> memref<200xi32, #tpu.memory_space<vmem>>
    %dma_start3A_11 = arith.constant 0 : i32
    %dma_start3A_12 = arith.constant 0 : i32
    %dma_start3A_13 = tpu.memref_slice %arg2[%dma_start3A_11, %dma_start3A_12] : memref<1000000x128xf32, #tpu.memory_space<hbm>> -> memref<1000000x128xf32, #tpu.memory_space<hbm>>
    tpu.enqueue_indirect_dma source(%dma_start3A_13 : memref<1000000x128xf32, #tpu.memory_space<hbm>>) target(%arg9 : memref<200x128xf32, #tpu.memory_space<vmem>>) offsets(%dma_start3A_10 : memref<200xi32, #tpu.memory_space<vmem>>) semaphore(%arg13 : memref<!tpu.dma_semaphore, #tpu.memory_space<semaphore_mem>>)
    %scan3A = arith.constant 0 : i32
    %scan3A_14 = arith.constant 0 : i32
    %scan3A_15 = arith.constant 64 : i32
    %scan3A_16 = arith.addi %scan3A_14, %scan3A_15 : i32
    %scan3A_17 = arith.constant 1 : i32
    scf.for %scan3A_34 = %scan3A_14 to %scan3A_16 step %scan3A_17  : i32 {
      %mul3A_35 = arith.constant 2 : i32
      %mul3A_36 = arith.muli %scan3A_34, %mul3A_35 : i32
      %add3A_37 = arith.constant 0 : i32
      %add3A_38 = arith.addi %mul3A_36, %add3A_37 : i32
      %mul3A_39 = arith.constant 200 : i32
      %mul3A_40 = arith.muli %add3A_38, %mul3A_39 : i32
      %dma_wait3A_41 = tpu.memref_slice %arg6[%mul3A_40] : memref<25600xi32, #tpu.memory_space<vmem>> -> memref<200xi32, #tpu.memory_space<vmem>>
      %dma_wait3A_42 = arith.constant 0 : i32
      %dma_wait3A_43 = arith.constant 0 : i32
      %dma_wait3A_44 = tpu.memref_slice %arg2[%dma_wait3A_42, %dma_wait3A_43] : memref<1000000x128xf32, #tpu.memory_space<hbm>> -> memref<1000000x128xf32, #tpu.memory_space<hbm>>
      tpu.wait_indirect_dma semaphore(%arg12 : memref<!tpu.dma_semaphore, #tpu.memory_space<semaphore_mem>>) src(%dma_wait3A_44 : memref<1000000x128xf32, #tpu.memory_space<hbm>>) dst(%arg8 : memref<200x128xf32, #tpu.memory_space<vmem>>)
      %gt3A = arith.constant 0 : i32
      %gt3A_45 = arith.cmpi sgt, %scan3A_34, %gt3A : i32
      %convert_element_type3A = arith.extui %gt3A_45 : i1 to i32
      %cond3A = arith.constant 0 : i32
      %cond3A_46 = arith.cmpi ne, %convert_element_type3A, %cond3A : i32
      scf.if %cond3A_46 {
        %dma_wait3A_101 = arith.constant 0 : i32
        %dma_wait3A_102 = arith.constant 0 : i32
        %dma_wait3A_103 = tpu.memref_slice %arg5[%mul3A_4, %dma_wait3A_101, %dma_wait3A_102] : memref<4096x100x128xf32, #tpu.memory_space<hbm>> -> memref<1x100x128xf32, #tpu.memory_space<hbm>>
        %dma_wait3A_104 = tpu.memref_squeeze %dma_wait3A_103 : memref<1x100x128xf32, #tpu.memory_space<hbm>> -> memref<100x128xf32, #tpu.memory_space<hbm>>
        %dma_wait3A_105 = arith.constant 0 : i32
        %dma_wait3A_106 = arith.constant 0 : i32
        %dma_wait3A_107 = tpu.memref_slice %arg5[%mul3A_4, %dma_wait3A_105, %dma_wait3A_106] : memref<4096x100x128xf32, #tpu.memory_space<hbm>> -> memref<1x100x128xf32, #tpu.memory_space<hbm>>
        %dma_wait3A_108 = tpu.memref_squeeze %dma_wait3A_107 : memref<1x100x128xf32, #tpu.memory_space<hbm>> -> memref<100x128xf32, #tpu.memory_space<hbm>>
        tpu.wait_dma2 semaphore(%arg14 : memref<!tpu.dma_semaphore, #tpu.memory_space<semaphore_mem>>) src(%arg10 : memref<100x128xf32, #tpu.memory_space<vmem>>) dst(%dma_wait3A_108 : memref<100x128xf32, #tpu.memory_space<hbm>>)
      } else {
      }
      %scan3A_47 = arith.constant 0 : i32
      %scan3A_48 = arith.constant 0 : i32
      %scan3A_49 = arith.constant 100 : i32
      %scan3A_50 = arith.addi %scan3A_48, %scan3A_49 : i32
      %scan3A_51 = arith.constant 1 : i32
      scf.for %scan3A_101 = %scan3A_48 to %scan3A_50 step %scan3A_51  : i32 {
        %mul3A_102 = arith.constant 2 : i32
        %mul3A_103 = arith.muli %scan3A_101, %mul3A_102 : i32
        %add3A_104 = arith.constant 0 : i32
        %add3A_105 = arith.addi %mul3A_103, %add3A_104 : i32
        %get3A = arith.index_cast %add3A_105 : i32 to index
        %get3A_106 = arith.constant 0 : index
        %get3A_107 = tpu.vector_load %arg8[%get3A, %get3A_106] {strides = array<i32>} : memref<200x128xf32, #tpu.memory_space<vmem>>, vector<1x16xf32>,
        %get3A_108 = vector.shape_cast %get3A_107 : vector<1x16xf32> to vector<16xf32>
        %get3A_109 = arith.index_cast %add3A_105 : i32 to index
        %get3A_110 = arith.constant 0 : index
        %get3A_111 = tpu.vector_load %arg7[%get3A_109, %get3A_110] {strides = array<i32>} : memref<200x64xf32, #tpu.memory_space<vmem>>, vector<1x16xf32>,
        %get3A_112 = vector.shape_cast %get3A_111 : vector<1x16xf32> to vector<16xf32>
        %add3A_113 = arith.addf %get3A_108, %get3A_112 : vector<16xf32>
        %swap3A = arith.index_cast %scan3A_101 : i32 to index
        %swap3A_114 = arith.constant 0 : index
        %swap3A_115 = tpu.vector_load %arg10[%swap3A, %swap3A_114] {strides = array<i32>} : memref<100x128xf32, #tpu.memory_space<vmem>>, vector<1x16xf32>,
        %swap3A_116 = vector.shape_cast %swap3A_115 : vector<1x16xf32> to vector<16xf32>
        %swap3A_117 = vector.shape_cast %add3A_113 : vector<16xf32> to vector<1x16xf32>
        tpu.vector_store %arg10[%swap3A, %swap3A_114], %swap3A_117 {strides = array<i32>} : memref<100x128xf32, #tpu.memory_space<vmem>>, vector<1x16xf32>,
        %get3A_118 = arith.index_cast %add3A_105 : i32 to index
        %get3A_119 = arith.constant 16 : index
        %get3A_120 = tpu.vector_load %arg8[%get3A_118, %get3A_119] {strides = array<i32>} : memref<200x128xf32, #tpu.memory_space<vmem>>, vector<1x16xf32>,
        %get3A_121 = vector.shape_cast %get3A_120 : vector<1x16xf32> to vector<16xf32>
        %get3A_122 = arith.index_cast %add3A_105 : i32 to index
        %get3A_123 = arith.constant 16 : index
        %get3A_124 = tpu.vector_load %arg7[%get3A_122, %get3A_123] {strides = array<i32>} : memref<200x64xf32, #tpu.memory_space<vmem>>, vector<1x16xf32>,
        %get3A_125 = vector.shape_cast %get3A_124 : vector<1x16xf32> to vector<16xf32>
        %add3A_126 = arith.addf %get3A_121, %get3A_125 : vector<16xf32>
        %swap3A_127 = arith.index_cast %scan3A_101 : i32 to index
        %swap3A_128 = arith.constant 16 : index
        %swap3A_129 = tpu.vector_load %arg10[%swap3A_127, %swap3A_128] {strides = array<i32>} : memref<100x128xf32, #tpu.memory_space<vmem>>, vector<1x16xf32>,
        %swap3A_130 = vector.shape_cast %swap3A_129 : vector<1x16xf32> to vector<16xf32>
        %swap3A_131 = vector.shape_cast %add3A_126 : vector<16xf32> to vector<1x16xf32>
        tpu.vector_store %arg10[%swap3A_127, %swap3A_128], %swap3A_131 {strides = array<i32>} : memref<100x128xf32, #tpu.memory_space<vmem>>, vector<1x16xf32>,
        %get3A_132 = arith.index_cast %add3A_105 : i32 to index
        %get3A_133 = arith.constant 32 : index
        %get3A_134 = tpu.vector_load %arg8[%get3A_132, %get3A_133] {strides = array<i32>} : memref<200x128xf32, #tpu.memory_space<vmem>>, vector<1x16xf32>,
        %get3A_135 = vector.shape_cast %get3A_134 : vector<1x16xf32> to vector<16xf32>
        %get3A_136 = arith.index_cast %add3A_105 : i32 to index
        %get3A_137 = arith.constant 32 : index
        %get3A_138 = tpu.vector_load %arg7[%get3A_136, %get3A_137] {strides = array<i32>} : memref<200x64xf32, #tpu.memory_space<vmem>>, vector<1x16xf32>,
        %get3A_139 = vector.shape_cast %get3A_138 : vector<1x16xf32> to vector<16xf32>
        %add3A_140 = arith.addf %get3A_135, %get3A_139 : vector<16xf32>
        %swap3A_141 = arith.index_cast %scan3A_101 : i32 to index
        %swap3A_142 = arith.constant 32 : index
        %swap3A_143 = tpu.vector_load %arg10[%swap3A_141, %swap3A_142] {strides = array<i32>} : memref<100x128xf32, #tpu.memory_space<vmem>>, vector<1x16xf32>,
        %swap3A_144 = vector.shape_cast %swap3A_143 : vector<1x16xf32> to vector<16xf32>
        %swap3A_145 = vector.shape_cast %add3A_140 : vector<16xf32> to vector<1x16xf32>
        tpu.vector_store %arg10[%swap3A_141, %swap3A_142], %swap3A_145 {strides = array<i32>} : memref<100x128xf32, #tpu.memory_space<vmem>>, vector<1x16xf32>,
        %get3A_146 = arith.index_cast %add3A_105 : i32 to index
        %get3A_147 = arith.constant 48 : index
        %get3A_148 = tpu.vector_load %arg8[%get3A_146, %get3A_147] {strides = array<i32>} : memref<200x128xf32, #tpu.memory_space<vmem>>, vector<1x16xf32>,
        %get3A_149 = vector.shape_cast %get3A_148 : vector<1x16xf32> to vector<16xf32>
        %get3A_150 = arith.index_cast %add3A_105 : i32 to index
        %get3A_151 = arith.constant 48 : index
        %get3A_152 = tpu.vector_load %arg7[%get3A_150, %get3A_151] {strides = array<i32>} : memref<200x64xf32, #tpu.memory_space<vmem>>, vector<1x16xf32>,
        %get3A_153 = vector.shape_cast %get3A_152 : vector<1x16xf32> to vector<16xf32>
        %add3A_154 = arith.addf %get3A_149, %get3A_153 : vector<16xf32>
        %swap3A_155 = arith.index_cast %scan3A_101 : i32 to index
        %swap3A_156 = arith.constant 48 : index
        %swap3A_157 = tpu.vector_load %arg10[%swap3A_155, %swap3A_156] {strides = array<i32>} : memref<100x128xf32, #tpu.memory_space<vmem>>, vector<1x16xf32>,
        %swap3A_158 = vector.shape_cast %swap3A_157 : vector<1x16xf32> to vector<16xf32>
        %swap3A_159 = vector.shape_cast %add3A_154 : vector<16xf32> to vector<1x16xf32>
        tpu.vector_store %arg10[%swap3A_155, %swap3A_156], %swap3A_159 {strides = array<i32>} : memref<100x128xf32, #tpu.memory_space<vmem>>, vector<1x16xf32>,
        %mul3A_160 = arith.constant 2 : i32
        %mul3A_161 = arith.muli %scan3A_101, %mul3A_160 : i32
        %add3A_162 = arith.constant 1 : i32
        %add3A_163 = arith.addi %mul3A_161, %add3A_162 : i32
        %get3A_164 = arith.index_cast %add3A_163 : i32 to index
        %get3A_165 = arith.constant 0 : index
        %get3A_166 = tpu.vector_load %arg8[%get3A_164, %get3A_165] {strides = array<i32>} : memref<200x128xf32, #tpu.memory_space<vmem>>, vector<1x16xf32>,
        %get3A_167 = vector.shape_cast %get3A_166 : vector<1x16xf32> to vector<16xf32>
        %get3A_168 = arith.index_cast %add3A_163 : i32 to index
        %get3A_169 = arith.constant 0 : index
        %get3A_170 = tpu.vector_load %arg7[%get3A_168, %get3A_169] {strides = array<i32>} : memref<200x64xf32, #tpu.memory_space<vmem>>, vector<1x16xf32>,
        %get3A_171 = vector.shape_cast %get3A_170 : vector<1x16xf32> to vector<16xf32>
        %add3A_172 = arith.addf %get3A_167, %get3A_171 : vector<16xf32>
        %swap3A_173 = arith.index_cast %scan3A_101 : i32 to index
        %swap3A_174 = arith.constant 64 : index
        %swap3A_175 = tpu.vector_load %arg10[%swap3A_173, %swap3A_174] {strides = array<i32>} : memref<100x128xf32, #tpu.memory_space<vmem>>, vector<1x16xf32>,
        %swap3A_176 = vector.shape_cast %swap3A_175 : vector<1x16xf32> to vector<16xf32>
        %swap3A_177 = vector.shape_cast %add3A_172 : vector<16xf32> to vector<1x16xf32>
        tpu.vector_store %arg10[%swap3A_173, %swap3A_174], %swap3A_177 {strides = array<i32>} : memref<100x128xf32, #tpu.memory_space<vmem>>, vector<1x16xf32>,
        %get3A_178 = arith.index_cast %add3A_163 : i32 to index
        %get3A_179 = arith.constant 16 : index
        %get3A_180 = tpu.vector_load %arg8[%get3A_178, %get3A_179] {strides = array<i32>} : memref<200x128xf32, #tpu.memory_space<vmem>>, vector<1x16xf32>,
        %get3A_181 = vector.shape_cast %get3A_180 : vector<1x16xf32> to vector<16xf32>
        %get3A_182 = arith.index_cast %add3A_163 : i32 to index
        %get3A_183 = arith.constant 16 : index
        %get3A_184 = tpu.vector_load %arg7[%get3A_182, %get3A_183] {strides = array<i32>} : memref<200x64xf32, #tpu.memory_space<vmem>>, vector<1x16xf32>,
        %get3A_185 = vector.shape_cast %get3A_184 : vector<1x16xf32> to vector<16xf32>
        %add3A_186 = arith.addf %get3A_181, %get3A_185 : vector<16xf32>
        %swap3A_187 = arith.index_cast %scan3A_101 : i32 to index
        %swap3A_188 = arith.constant 80 : index
        %swap3A_189 = tpu.vector_load %arg10[%swap3A_187, %swap3A_188] {strides = array<i32>} : memref<100x128xf32, #tpu.memory_space<vmem>>, vector<1x16xf32>,
        %swap3A_190 = vector.shape_cast %swap3A_189 : vector<1x16xf32> to vector<16xf32>
        %swap3A_191 = vector.shape_cast %add3A_186 : vector<16xf32> to vector<1x16xf32>
        tpu.vector_store %arg10[%swap3A_187, %swap3A_188], %swap3A_191 {strides = array<i32>} : memref<100x128xf32, #tpu.memory_space<vmem>>, vector<1x16xf32>,
        %get3A_192 = arith.index_cast %add3A_163 : i32 to index
        %get3A_193 = arith.constant 32 : index
        %get3A_194 = tpu.vector_load %arg8[%get3A_192, %get3A_193] {strides = array<i32>} : memref<200x128xf32, #tpu.memory_space<vmem>>, vector<1x16xf32>,
        %get3A_195 = vector.shape_cast %get3A_194 : vector<1x16xf32> to vector<16xf32>
        %get3A_196 = arith.index_cast %add3A_163 : i32 to index
        %get3A_197 = arith.constant 32 : index
        %get3A_198 = tpu.vector_load %arg7[%get3A_196, %get3A_197] {strides = array<i32>} : memref<200x64xf32, #tpu.memory_space<vmem>>, vector<1x16xf32>,
        %get3A_199 = vector.shape_cast %get3A_198 : vector<1x16xf32> to vector<16xf32>
        %add3A_200 = arith.addf %get3A_195, %get3A_199 : vector<16xf32>
        %swap3A_201 = arith.index_cast %scan3A_101 : i32 to index
        %swap3A_202 = arith.constant 96 : index
        %swap3A_203 = tpu.vector_load %arg10[%swap3A_201, %swap3A_202] {strides = array<i32>} : memref<100x128xf32, #tpu.memory_space<vmem>>, vector<1x16xf32>,
        %swap3A_204 = vector.shape_cast %swap3A_203 : vector<1x16xf32> to vector<16xf32>
        %swap3A_205 = vector.shape_cast %add3A_200 : vector<16xf32> to vector<1x16xf32>
        tpu.vector_store %arg10[%swap3A_201, %swap3A_202], %swap3A_205 {strides = array<i32>} : memref<100x128xf32, #tpu.memory_space<vmem>>, vector<1x16xf32>,
        %get3A_206 = arith.index_cast %add3A_163 : i32 to index
        %get3A_207 = arith.constant 48 : index
        %get3A_208 = tpu.vector_load %arg8[%get3A_206, %get3A_207] {strides = array<i32>} : memref<200x128xf32, #tpu.memory_space<vmem>>, vector<1x16xf32>,
        %get3A_209 = vector.shape_cast %get3A_208 : vector<1x16xf32> to vector<16xf32>
        %get3A_210 = arith.index_cast %add3A_163 : i32 to index
        %get3A_211 = arith.constant 48 : index
        %get3A_212 = tpu.vector_load %arg7[%get3A_210, %get3A_211] {strides = array<i32>} : memref<200x64xf32, #tpu.memory_space<vmem>>, vector<1x16xf32>,
        %get3A_213 = vector.shape_cast %get3A_212 : vector<1x16xf32> to vector<16xf32>
        %add3A_214 = arith.addf %get3A_209, %get3A_213 : vector<16xf32>
        %swap3A_215 = arith.index_cast %scan3A_101 : i32 to index
        %swap3A_216 = arith.constant 112 : index
        %swap3A_217 = tpu.vector_load %arg10[%swap3A_215, %swap3A_216] {strides = array<i32>} : memref<100x128xf32, #tpu.memory_space<vmem>>, vector<1x16xf32>,
        %swap3A_218 = vector.shape_cast %swap3A_217 : vector<1x16xf32> to vector<16xf32>
        %swap3A_219 = vector.shape_cast %add3A_214 : vector<16xf32> to vector<1x16xf32>
        tpu.vector_store %arg10[%swap3A_215, %swap3A_216], %swap3A_219 {strides = array<i32>} : memref<100x128xf32, #tpu.memory_space<vmem>>, vector<1x16xf32>,
      }
      %scan3A_52 = arith.constant 100 : i32
      %lt3A = arith.constant 63 : i32
      %lt3A_53 = arith.cmpi slt, %scan3A_34, %lt3A : i32
      %convert_element_type3A_54 = arith.extui %lt3A_53 : i1 to i32
      %cond3A_55 = arith.constant 0 : i32
      %cond3A_56 = arith.cmpi ne, %convert_element_type3A_54, %cond3A_55 : i32
      scf.if %cond3A_56 {
        %add3A_101 = arith.constant 2 : i32
        %add3A_102 = arith.addi %add3A_38, %add3A_101 : i32
        %mul3A_103 = arith.constant 200 : i32
        %mul3A_104 = arith.muli %add3A_102, %mul3A_103 : i32
        %dma_start3A_105 = tpu.memref_slice %arg6[%mul3A_104] : memref<25600xi32, #tpu.memory_space<vmem>> -> memref<200xi32, #tpu.memory_space<vmem>>
        %dma_start3A_106 = arith.constant 0 : i32
        %dma_start3A_107 = arith.constant 0 : i32
        %dma_start3A_108 = tpu.memref_slice %arg2[%dma_start3A_106, %dma_start3A_107] : memref<1000000x128xf32, #tpu.memory_space<hbm>> -> memref<1000000x128xf32, #tpu.memory_space<hbm>>
        tpu.enqueue_indirect_dma source(%dma_start3A_108 : memref<1000000x128xf32, #tpu.memory_space<hbm>>) target(%arg8 : memref<200x128xf32, #tpu.memory_space<vmem>>) offsets(%dma_start3A_105 : memref<200xi32, #tpu.memory_space<vmem>>) semaphore(%arg12 : memref<!tpu.dma_semaphore, #tpu.memory_space<semaphore_mem>>)
      } else {
      }
      %add3A_57 = arith.addi %mul3A_4, %add3A_38 : i32
      %dma_start3A_58 = arith.constant 0 : i32
      %dma_start3A_59 = arith.constant 0 : i32
      %dma_start3A_60 = tpu.memref_slice %arg5[%add3A_57, %dma_start3A_58, %dma_start3A_59] : memref<4096x100x128xf32, #tpu.memory_space<hbm>> -> memref<1x100x128xf32, #tpu.memory_space<hbm>>
      %dma_start3A_61 = tpu.memref_squeeze %dma_start3A_60 : memref<1x100x128xf32, #tpu.memory_space<hbm>> -> memref<100x128xf32, #tpu.memory_space<hbm>>
      %dma_start3A_62 = arith.constant 0 : i32
      %dma_start3A_63 = arith.constant 0 : i32
      %dma_start3A_64 = tpu.memref_slice %arg5[%add3A_57, %dma_start3A_62, %dma_start3A_63] : memref<4096x100x128xf32, #tpu.memory_space<hbm>> -> memref<1x100x128xf32, #tpu.memory_space<hbm>>
      %dma_start3A_65 = tpu.memref_squeeze %dma_start3A_64 : memref<1x100x128xf32, #tpu.memory_space<hbm>> -> memref<100x128xf32, #tpu.memory_space<hbm>>
      tpu.enqueue_dma source(%arg10 : memref<100x128xf32, #tpu.memory_space<vmem>>) target(%dma_start3A_65 : memref<100x128xf32, #tpu.memory_space<hbm>>) target_semaphore(%arg14 : memref<!tpu.dma_semaphore, #tpu.memory_space<semaphore_mem>>)
      %mul3A_66 = arith.constant 2 : i32
      %mul3A_67 = arith.muli %scan3A_34, %mul3A_66 : i32
      %add3A_68 = arith.constant 1 : i32
      %add3A_69 = arith.addi %mul3A_67, %add3A_68 : i32
      %mul3A_70 = arith.constant 200 : i32
      %mul3A_71 = arith.muli %add3A_69, %mul3A_70 : i32
      %dma_wait3A_72 = tpu.memref_slice %arg6[%mul3A_71] : memref<25600xi32, #tpu.memory_space<vmem>> -> memref<200xi32, #tpu.memory_space<vmem>>
      %dma_wait3A_73 = arith.constant 0 : i32
      %dma_wait3A_74 = arith.constant 0 : i32
      %dma_wait3A_75 = tpu.memref_slice %arg2[%dma_wait3A_73, %dma_wait3A_74] : memref<1000000x128xf32, #tpu.memory_space<hbm>> -> memref<1000000x128xf32, #tpu.memory_space<hbm>>
      tpu.wait_indirect_dma semaphore(%arg13 : memref<!tpu.dma_semaphore, #tpu.memory_space<semaphore_mem>>) src(%dma_wait3A_75 : memref<1000000x128xf32, #tpu.memory_space<hbm>>) dst(%arg9 : memref<200x128xf32, #tpu.memory_space<vmem>>)
      %gt3A_76 = arith.constant 0 : i32
      %gt3A_77 = arith.cmpi sgt, %scan3A_34, %gt3A_76 : i32
      %convert_element_type3A_78 = arith.extui %gt3A_77 : i1 to i32
      %cond3A_79 = arith.constant 0 : i32
      %cond3A_80 = arith.cmpi ne, %convert_element_type3A_78, %cond3A_79 : i32
      scf.if %cond3A_80 {
        %dma_wait3A_101 = arith.constant 0 : i32
        %dma_wait3A_102 = arith.constant 0 : i32
        %dma_wait3A_103 = tpu.memref_slice %arg5[%mul3A_4, %dma_wait3A_101, %dma_wait3A_102] : memref<4096x100x128xf32, #tpu.memory_space<hbm>> -> memref<1x100x128xf32, #tpu.memory_space<hbm>>
        %dma_wait3A_104 = tpu.memref_squeeze %dma_wait3A_103 : memref<1x100x128xf32, #tpu.memory_space<hbm>> -> memref<100x128xf32, #tpu.memory_space<hbm>>
        %dma_wait3A_105 = arith.constant 0 : i32
        %dma_wait3A_106 = arith.constant 0 : i32
        %dma_wait3A_107 = tpu.memref_slice %arg5[%mul3A_4, %dma_wait3A_105, %dma_wait3A_106] : memref<4096x100x128xf32, #tpu.memory_space<hbm>> -> memref<1x100x128xf32, #tpu.memory_space<hbm>>
        %dma_wait3A_108 = tpu.memref_squeeze %dma_wait3A_107 : memref<1x100x128xf32, #tpu.memory_space<hbm>> -> memref<100x128xf32, #tpu.memory_space<hbm>>
        tpu.wait_dma2 semaphore(%arg15 : memref<!tpu.dma_semaphore, #tpu.memory_space<semaphore_mem>>) src(%arg11 : memref<100x128xf32, #tpu.memory_space<vmem>>) dst(%dma_wait3A_108 : memref<100x128xf32, #tpu.memory_space<hbm>>)
      } else {
      }
      %scan3A_81 = arith.constant 0 : i32
      %scan3A_82 = arith.constant 0 : i32
      %scan3A_83 = arith.constant 100 : i32
      %scan3A_84 = arith.addi %scan3A_82, %scan3A_83 : i32
      %scan3A_85 = arith.constant 1 : i32
      scf.for %scan3A_101 = %scan3A_82 to %scan3A_84 step %scan3A_85  : i32 {
        %mul3A_102 = arith.constant 2 : i32
        %mul3A_103 = arith.muli %scan3A_101, %mul3A_102 : i32
        %add3A_104 = arith.constant 0 : i32
        %add3A_105 = arith.addi %mul3A_103, %add3A_104 : i32
        %get3A = arith.index_cast %add3A_105 : i32 to index
        %get3A_106 = arith.constant 0 : index
        %get3A_107 = tpu.vector_load %arg9[%get3A, %get3A_106] {strides = array<i32>} : memref<200x128xf32, #tpu.memory_space<vmem>>, vector<1x16xf32>,
        %get3A_108 = vector.shape_cast %get3A_107 : vector<1x16xf32> to vector<16xf32>
        %get3A_109 = arith.index_cast %add3A_105 : i32 to index
        %get3A_110 = arith.constant 0 : index
        %get3A_111 = tpu.vector_load %arg7[%get3A_109, %get3A_110] {strides = array<i32>} : memref<200x64xf32, #tpu.memory_space<vmem>>, vector<1x16xf32>,
        %get3A_112 = vector.shape_cast %get3A_111 : vector<1x16xf32> to vector<16xf32>
        %add3A_113 = arith.addf %get3A_108, %get3A_112 : vector<16xf32>
        %swap3A = arith.index_cast %scan3A_101 : i32 to index
        %swap3A_114 = arith.constant 0 : index
        %swap3A_115 = tpu.vector_load %arg11[%swap3A, %swap3A_114] {strides = array<i32>} : memref<100x128xf32, #tpu.memory_space<vmem>>, vector<1x16xf32>,
        %swap3A_116 = vector.shape_cast %swap3A_115 : vector<1x16xf32> to vector<16xf32>
        %swap3A_117 = vector.shape_cast %add3A_113 : vector<16xf32> to vector<1x16xf32>
        tpu.vector_store %arg11[%swap3A, %swap3A_114], %swap3A_117 {strides = array<i32>} : memref<100x128xf32, #tpu.memory_space<vmem>>, vector<1x16xf32>,
        %get3A_118 = arith.index_cast %add3A_105 : i32 to index
        %get3A_119 = arith.constant 16 : index
        %get3A_120 = tpu.vector_load %arg9[%get3A_118, %get3A_119] {strides = array<i32>} : memref<200x128xf32, #tpu.memory_space<vmem>>, vector<1x16xf32>,
        %get3A_121 = vector.shape_cast %get3A_120 : vector<1x16xf32> to vector<16xf32>
        %get3A_122 = arith.index_cast %add3A_105 : i32 to index
        %get3A_123 = arith.constant 16 : index
        %get3A_124 = tpu.vector_load %arg7[%get3A_122, %get3A_123] {strides = array<i32>} : memref<200x64xf32, #tpu.memory_space<vmem>>, vector<1x16xf32>,
        %get3A_125 = vector.shape_cast %get3A_124 : vector<1x16xf32> to vector<16xf32>
        %add3A_126 = arith.addf %get3A_121, %get3A_125 : vector<16xf32>
        %swap3A_127 = arith.index_cast %scan3A_101 : i32 to index
        %swap3A_128 = arith.constant 16 : index
        %swap3A_129 = tpu.vector_load %arg11[%swap3A_127, %swap3A_128] {strides = array<i32>} : memref<100x128xf32, #tpu.memory_space<vmem>>, vector<1x16xf32>,
        %swap3A_130 = vector.shape_cast %swap3A_129 : vector<1x16xf32> to vector<16xf32>
        %swap3A_131 = vector.shape_cast %add3A_126 : vector<16xf32> to vector<1x16xf32>
        tpu.vector_store %arg11[%swap3A_127, %swap3A_128], %swap3A_131 {strides = array<i32>} : memref<100x128xf32, #tpu.memory_space<vmem>>, vector<1x16xf32>,
        %get3A_132 = arith.index_cast %add3A_105 : i32 to index
        %get3A_133 = arith.constant 32 : index
        %get3A_134 = tpu.vector_load %arg9[%get3A_132, %get3A_133] {strides = array<i32>} : memref<200x128xf32, #tpu.memory_space<vmem>>, vector<1x16xf32>,
        %get3A_135 = vector.shape_cast %get3A_134 : vector<1x16xf32> to vector<16xf32>
        %get3A_136 = arith.index_cast %add3A_105 : i32 to index
        %get3A_137 = arith.constant 32 : index
        %get3A_138 = tpu.vector_load %arg7[%get3A_136, %get3A_137] {strides = array<i32>} : memref<200x64xf32, #tpu.memory_space<vmem>>, vector<1x16xf32>,
        %get3A_139 = vector.shape_cast %get3A_138 : vector<1x16xf32> to vector<16xf32>
        %add3A_140 = arith.addf %get3A_135, %get3A_139 : vector<16xf32>
        %swap3A_141 = arith.index_cast %scan3A_101 : i32 to index
        %swap3A_142 = arith.constant 32 : index
        %swap3A_143 = tpu.vector_load %arg11[%swap3A_141, %swap3A_142] {strides = array<i32>} : memref<100x128xf32, #tpu.memory_space<vmem>>, vector<1x16xf32>,
        %swap3A_144 = vector.shape_cast %swap3A_143 : vector<1x16xf32> to vector<16xf32>
        %swap3A_145 = vector.shape_cast %add3A_140 : vector<16xf32> to vector<1x16xf32>
        tpu.vector_store %arg11[%swap3A_141, %swap3A_142], %swap3A_145 {strides = array<i32>} : memref<100x128xf32, #tpu.memory_space<vmem>>, vector<1x16xf32>,
        %get3A_146 = arith.index_cast %add3A_105 : i32 to index
        %get3A_147 = arith.constant 48 : index
        %get3A_148 = tpu.vector_load %arg9[%get3A_146, %get3A_147] {strides = array<i32>} : memref<200x128xf32, #tpu.memory_space<vmem>>, vector<1x16xf32>,
        %get3A_149 = vector.shape_cast %get3A_148 : vector<1x16xf32> to vector<16xf32>
        %get3A_150 = arith.index_cast %add3A_105 : i32 to index
        %get3A_151 = arith.constant 48 : index
        %get3A_152 = tpu.vector_load %arg7[%get3A_150, %get3A_151] {strides = array<i32>} : memref<200x64xf32, #tpu.memory_space<vmem>>, vector<1x16xf32>,
        %get3A_153 = vector.shape_cast %get3A_152 : vector<1x16xf32> to vector<16xf32>
        %add3A_154 = arith.addf %get3A_149, %get3A_153 : vector<16xf32>
        %swap3A_155 = arith.index_cast %scan3A_101 : i32 to index
        %swap3A_156 = arith.constant 48 : index
        %swap3A_157 = tpu.vector_load %arg11[%swap3A_155, %swap3A_156] {strides = array<i32>} : memref<100x128xf32, #tpu.memory_space<vmem>>, vector<1x16xf32>,
        %swap3A_158 = vector.shape_cast %swap3A_157 : vector<1x16xf32> to vector<16xf32>
        %swap3A_159 = vector.shape_cast %add3A_154 : vector<16xf32> to vector<1x16xf32>
        tpu.vector_store %arg11[%swap3A_155, %swap3A_156], %swap3A_159 {strides = array<i32>} : memref<100x128xf32, #tpu.memory_space<vmem>>, vector<1x16xf32>,
        %mul3A_160 = arith.constant 2 : i32
        %mul3A_161 = arith.muli %scan3A_101, %mul3A_160 : i32
        %add3A_162 = arith.constant 1 : i32
        %add3A_163 = arith.addi %mul3A_161, %add3A_162 : i32
        %get3A_164 = arith.index_cast %add3A_163 : i32 to index
        %get3A_165 = arith.constant 0 : index
        %get3A_166 = tpu.vector_load %arg9[%get3A_164, %get3A_165] {strides = array<i32>} : memref<200x128xf32, #tpu.memory_space<vmem>>, vector<1x16xf32>,
        %get3A_167 = vector.shape_cast %get3A_166 : vector<1x16xf32> to vector<16xf32>
        %get3A_168 = arith.index_cast %add3A_163 : i32 to index
        %get3A_169 = arith.constant 0 : index
        %get3A_170 = tpu.vector_load %arg7[%get3A_168, %get3A_169] {strides = array<i32>} : memref<200x64xf32, #tpu.memory_space<vmem>>, vector<1x16xf32>,
        %get3A_171 = vector.shape_cast %get3A_170 : vector<1x16xf32> to vector<16xf32>
        %add3A_172 = arith.addf %get3A_167, %get3A_171 : vector<16xf32>
        %swap3A_173 = arith.index_cast %scan3A_101 : i32 to index
        %swap3A_174 = arith.constant 64 : index
        %swap3A_175 = tpu.vector_load %arg11[%swap3A_173, %swap3A_174] {strides = array<i32>} : memref<100x128xf32, #tpu.memory_space<vmem>>, vector<1x16xf32>,
        %swap3A_176 = vector.shape_cast %swap3A_175 : vector<1x16xf32> to vector<16xf32>
        %swap3A_177 = vector.shape_cast %add3A_172 : vector<16xf32> to vector<1x16xf32>
        tpu.vector_store %arg11[%swap3A_173, %swap3A_174], %swap3A_177 {strides = array<i32>} : memref<100x128xf32, #tpu.memory_space<vmem>>, vector<1x16xf32>,
        %get3A_178 = arith.index_cast %add3A_163 : i32 to index
        %get3A_179 = arith.constant 16 : index
        %get3A_180 = tpu.vector_load %arg9[%get3A_178, %get3A_179] {strides = array<i32>} : memref<200x128xf32, #tpu.memory_space<vmem>>, vector<1x16xf32>,
        %get3A_181 = vector.shape_cast %get3A_180 : vector<1x16xf32> to vector<16xf32>
        %get3A_182 = arith.index_cast %add3A_163 : i32 to index
        %get3A_183 = arith.constant 16 : index
        %get3A_184 = tpu.vector_load %arg7[%get3A_182, %get3A_183] {strides = array<i32>} : memref<200x64xf32, #tpu.memory_space<vmem>>, vector<1x16xf32>,
        %get3A_185 = vector.shape_cast %get3A_184 : vector<1x16xf32> to vector<16xf32>
        %add3A_186 = arith.addf %get3A_181, %get3A_185 : vector<16xf32>
        %swap3A_187 = arith.index_cast %scan3A_101 : i32 to index
        %swap3A_188 = arith.constant 80 : index
        %swap3A_189 = tpu.vector_load %arg11[%swap3A_187, %swap3A_188] {strides = array<i32>} : memref<100x128xf32, #tpu.memory_space<vmem>>, vector<1x16xf32>,
        %swap3A_190 = vector.shape_cast %swap3A_189 : vector<1x16xf32> to vector<16xf32>
        %swap3A_191 = vector.shape_cast %add3A_186 : vector<16xf32> to vector<1x16xf32>
        tpu.vector_store %arg11[%swap3A_187, %swap3A_188], %swap3A_191 {strides = array<i32>} : memref<100x128xf32, #tpu.memory_space<vmem>>, vector<1x16xf32>,
        %get3A_192 = arith.index_cast %add3A_163 : i32 to index
        %get3A_193 = arith.constant 32 : index
        %get3A_194 = tpu.vector_load %arg9[%get3A_192, %get3A_193] {strides = array<i32>} : memref<200x128xf32, #tpu.memory_space<vmem>>, vector<1x16xf32>,
        %get3A_195 = vector.shape_cast %get3A_194 : vector<1x16xf32> to vector<16xf32>
        %get3A_196 = arith.index_cast %add3A_163 : i32 to index
        %get3A_197 = arith.constant 32 : index
        %get3A_198 = tpu.vector_load %arg7[%get3A_196, %get3A_197] {strides = array<i32>} : memref<200x64xf32, #tpu.memory_space<vmem>>, vector<1x16xf32>,
        %get3A_199 = vector.shape_cast %get3A_198 : vector<1x16xf32> to vector<16xf32>
        %add3A_200 = arith.addf %get3A_195, %get3A_199 : vector<16xf32>
        %swap3A_201 = arith.index_cast %scan3A_101 : i32 to index
        %swap3A_202 = arith.constant 96 : index
        %swap3A_203 = tpu.vector_load %arg11[%swap3A_201, %swap3A_202] {strides = array<i32>} : memref<100x128xf32, #tpu.memory_space<vmem>>, vector<1x16xf32>,
        %swap3A_204 = vector.shape_cast %swap3A_203 : vector<1x16xf32> to vector<16xf32>
        %swap3A_205 = vector.shape_cast %add3A_200 : vector<16xf32> to vector<1x16xf32>
        tpu.vector_store %arg11[%swap3A_201, %swap3A_202], %swap3A_205 {strides = array<i32>} : memref<100x128xf32, #tpu.memory_space<vmem>>, vector<1x16xf32>,
        %get3A_206 = arith.index_cast %add3A_163 : i32 to index
        %get3A_207 = arith.constant 48 : index
        %get3A_208 = tpu.vector_load %arg9[%get3A_206, %get3A_207] {strides = array<i32>} : memref<200x128xf32, #tpu.memory_space<vmem>>, vector<1x16xf32>,
        %get3A_209 = vector.shape_cast %get3A_208 : vector<1x16xf32> to vector<16xf32>
        %get3A_210 = arith.index_cast %add3A_163 : i32 to index
        %get3A_211 = arith.constant 48 : index
        %get3A_212 = tpu.vector_load %arg7[%get3A_210, %get3A_211] {strides = array<i32>} : memref<200x64xf32, #tpu.memory_space<vmem>>, vector<1x16xf32>,
        %get3A_213 = vector.shape_cast %get3A_212 : vector<1x16xf32> to vector<16xf32>
        %add3A_214 = arith.addf %get3A_209, %get3A_213 : vector<16xf32>
        %swap3A_215 = arith.index_cast %scan3A_101 : i32 to index
        %swap3A_216 = arith.constant 112 : index
        %swap3A_217 = tpu.vector_load %arg11[%swap3A_215, %swap3A_216] {strides = array<i32>} : memref<100x128xf32, #tpu.memory_space<vmem>>, vector<1x16xf32>,
        %swap3A_218 = vector.shape_cast %swap3A_217 : vector<1x16xf32> to vector<16xf32>
        %swap3A_219 = vector.shape_cast %add3A_214 : vector<16xf32> to vector<1x16xf32>
        tpu.vector_store %arg11[%swap3A_215, %swap3A_216], %swap3A_219 {strides = array<i32>} : memref<100x128xf32, #tpu.memory_space<vmem>>, vector<1x16xf32>,
      }
      %scan3A_86 = arith.constant 100 : i32
      %lt3A_87 = arith.constant 63 : i32
      %lt3A_88 = arith.cmpi slt, %scan3A_34, %lt3A_87 : i32
      %convert_element_type3A_89 = arith.extui %lt3A_88 : i1 to i32
      %cond3A_90 = arith.constant 0 : i32
      %cond3A_91 = arith.cmpi ne, %convert_element_type3A_89, %cond3A_90 : i32
      scf.if %cond3A_91 {
        %add3A_101 = arith.constant 2 : i32
        %add3A_102 = arith.addi %add3A_69, %add3A_101 : i32
        %mul3A_103 = arith.constant 200 : i32
        %mul3A_104 = arith.muli %add3A_102, %mul3A_103 : i32
        %dma_start3A_105 = tpu.memref_slice %arg6[%mul3A_104] : memref<25600xi32, #tpu.memory_space<vmem>> -> memref<200xi32, #tpu.memory_space<vmem>>
        %dma_start3A_106 = arith.constant 0 : i32
        %dma_start3A_107 = arith.constant 0 : i32
        %dma_start3A_108 = tpu.memref_slice %arg2[%dma_start3A_106, %dma_start3A_107] : memref<1000000x128xf32, #tpu.memory_space<hbm>> -> memref<1000000x128xf32, #tpu.memory_space<hbm>>
        tpu.enqueue_indirect_dma source(%dma_start3A_108 : memref<1000000x128xf32, #tpu.memory_space<hbm>>) target(%arg9 : memref<200x128xf32, #tpu.memory_space<vmem>>) offsets(%dma_start3A_105 : memref<200xi32, #tpu.memory_space<vmem>>) semaphore(%arg13 : memref<!tpu.dma_semaphore, #tpu.memory_space<semaphore_mem>>)
      } else {
      }
      %add3A_92 = arith.addi %mul3A_4, %add3A_69 : i32
      %dma_start3A_93 = arith.constant 0 : i32
      %dma_start3A_94 = arith.constant 0 : i32
      %dma_start3A_95 = tpu.memref_slice %arg5[%add3A_92, %dma_start3A_93, %dma_start3A_94] : memref<4096x100x128xf32, #tpu.memory_space<hbm>> -> memref<1x100x128xf32, #tpu.memory_space<hbm>>
      %dma_start3A_96 = tpu.memref_squeeze %dma_start3A_95 : memref<1x100x128xf32, #tpu.memory_space<hbm>> -> memref<100x128xf32, #tpu.memory_space<hbm>>
      %dma_start3A_97 = arith.constant 0 : i32
      %dma_start3A_98 = arith.constant 0 : i32
      %dma_start3A_99 = tpu.memref_slice %arg5[%add3A_92, %dma_start3A_97, %dma_start3A_98] : memref<4096x100x128xf32, #tpu.memory_space<hbm>> -> memref<1x100x128xf32, #tpu.memory_space<hbm>>
      %dma_start3A_100 = tpu.memref_squeeze %dma_start3A_99 : memref<1x100x128xf32, #tpu.memory_space<hbm>> -> memref<100x128xf32, #tpu.memory_space<hbm>>
      tpu.enqueue_dma source(%arg11 : memref<100x128xf32, #tpu.memory_space<vmem>>) target(%dma_start3A_100 : memref<100x128xf32, #tpu.memory_space<hbm>>) target_semaphore(%arg15 : memref<!tpu.dma_semaphore, #tpu.memory_space<semaphore_mem>>)
    }
    %scan3A_18 = arith.constant 64 : i32
    %dma_wait3A = arith.constant 0 : i32
    %dma_wait3A_19 = arith.constant 0 : i32
    %dma_wait3A_20 = tpu.memref_slice %arg5[%mul3A_4, %dma_wait3A, %dma_wait3A_19] : memref<4096x100x128xf32, #tpu.memory_space<hbm>> -> memref<1x100x128xf32, #tpu.memory_space<hbm>>
    %dma_wait3A_21 = tpu.memref_squeeze %dma_wait3A_20 : memref<1x100x128xf32, #tpu.memory_space<hbm>> -> memref<100x128xf32, #tpu.memory_space<hbm>>
    %dma_wait3A_22 = arith.constant 0 : i32
    %dma_wait3A_23 = arith.constant 0 : i32
    %dma_wait3A_24 = tpu.memref_slice %arg5[%mul3A_4, %dma_wait3A_22, %dma_wait3A_23] : memref<4096x100x128xf32, #tpu.memory_space<hbm>> -> memref<1x100x128xf32, #tpu.memory_space<hbm>>
    %dma_wait3A_25 = tpu.memref_squeeze %dma_wait3A_24 : memref<1x100x128xf32, #tpu.memory_space<hbm>> -> memref<100x128xf32, #tpu.memory_space<hbm>>
    tpu.wait_dma2 semaphore(%arg14 : memref<!tpu.dma_semaphore, #tpu.memory_space<semaphore_mem>>) src(%arg10 : memref<100x128xf32, #tpu.memory_space<vmem>>) dst(%dma_wait3A_25 : memref<100x128xf32, #tpu.memory_space<hbm>>)
    %dma_wait3A_26 = arith.constant 0 : i32
    %dma_wait3A_27 = arith.constant 0 : i32
    %dma_wait3A_28 = tpu.memref_slice %arg5[%mul3A_4, %dma_wait3A_26, %dma_wait3A_27] : memref<4096x100x128xf32, #tpu.memory_space<hbm>> -> memref<1x100x128xf32, #tpu.memory_space<hbm>>
    %dma_wait3A_29 = tpu.memref_squeeze %dma_wait3A_28 : memref<1x100x128xf32, #tpu.memory_space<hbm>> -> memref<100x128xf32, #tpu.memory_space<hbm>>
    %dma_wait3A_30 = arith.constant 0 : i32
    %dma_wait3A_31 = arith.constant 0 : i32
    %dma_wait3A_32 = tpu.memref_slice %arg5[%mul3A_4, %dma_wait3A_30, %dma_wait3A_31] : memref<4096x100x128xf32, #tpu.memory_space<hbm>> -> memref<1x100x128xf32, #tpu.memory_space<hbm>>
    %dma_wait3A_33 = tpu.memref_squeeze %dma_wait3A_32 : memref<1x100x128xf32, #tpu.memory_space<hbm>> -> memref<100x128xf32, #tpu.memory_space<hbm>>
    tpu.wait_dma2 semaphore(%arg15 : memref<!tpu.dma_semaphore, #tpu.memory_space<semaphore_mem>>) src(%arg11 : memref<100x128xf32, #tpu.memory_space<vmem>>) dst(%dma_wait3A_33 : memref<100x128xf32, #tpu.memory_space<hbm>>)
    return
  }
}

</mosaic_0001>

<sc_bundles>
// kernel: kernel.3.cloned.1.call-start
scs
__scs_entry_jumppad:
0x0: {  	(pc) =	sbr.rel $0x88, $3  }
0x1: {  	(tag) =	ssettag $0x0;
	lr =	simm.s32 $0x1  }
0x2: {  	[smem:$0x3F9F] =	sst lr;
	_ =	strace $0xD0000000  }
0x3: {  	_ = 	snop  }
0x4: {  	_ = 	snop  }
0x5: {  	_ = 	snop  }
0x6: {  	_ = 	snop  }
0x7: {  	_ = 	snop  }
__scs_overlays_trampoline_lowered:
0x8: {  	[smem:$0x3FAE] =	sst s0  }
0x9: {  	[smem:$0x3FAF] =	sst s1  }
0xa: {  	[smem:$0x3FB0] =	sst s2  }
0xb: {  	[smem:$0x3FB1] =	sst s3  }
0xc: {  	[smem:$0x3FB2] =	sst s4  }
0xd: {  	[smem:$0x3FB3] =	sst s5  }
0xe: {  	[smem:$0x3FB4] =	sst s6  }
0xf: {  	[smem:$0x3FB5] =	sst s7  }
0x10: {  	[smem:$0x3FB6] =	sst s8  }
0x11: {  	[smem:$0x3FB7] =	sst s9;
	s0 =	simm.s32 @!p0 $0x0  }
0x12: {  	s1 =	sld [smem:$0x3F9D];
	s0 =	simm.s32 @p0 $0x1  }
0x13: {  	[smem:$0x3FB8] =	sst s0;
	s0 =	simm.s32 @!p1 $0x0  }
0x14: {  	s2 =	sld [smem:$0x3F9C];
	s0 =	simm.s32 @p1 $0x1  }
0x15: {  	[smem:$0x3FB9] =	sst s0;
	s0 =	simm.s32 @!p2 $0x0  }
0x16: {  	s3 =	sld [smem:$0x3FDB];
	s0 =	simm.s32 @p2 $0x1  }
0x17: {  	s4 =	simm.s32 $0x1BF5;
	[smem:$0x3FBB] =	sst s0  }
0x18: {  	s0 =	sld [smem:$0x3F9E];
	_ =	swait.ge [sflag:s4], $0x0  }
0x19: {  	s7 =	sld [smem:$0x3F9F]  }
0x1a: {  	s8 =	sadd.s32 $0xFFFFE003, lr  }
0x1b: {  	s9 =	sadd.s32 $0xFFFFFEF7, lr;
	s5 =	simm.s32 $0xFFFFFFFF;
	p2 =	slt.u32 s8, $0xFFFFF086  }
0x1c: {  	p1 =	slt.u32 s9, $0xF7A;
	s5 =	simm.s32 @!p2 $0x0  }
0x1d: {  	s5 =	simm.s32 @p1 $0x1;
	p0 =	seq.s32 s7, s2  }
0x1e: {  	s7 =	smul.u32 @!p0 $0xF7A, s2;
	p2 =	seq.s32 @!p0 s5, $0x0  }
0x1f: {  	s9 =	smul.u32 $0xF7A, s1;
	s8 =	simm.s32 @!p0 $0x1BF5;
	p2 =	por !p2, p0  }
0x20: {  	[sflag:s8] =	ssyncset.s32 @!p0 $0xFFFFF086;
	s6 =	sadd.s32 @!p0 s3, s7;
	s7 =	simm.s32 @!p0 $0x108  }
0x21: {  	s3 =	sadd.s32 s3, s9;
	s6 =	sadd.s32 @!p0 $0x88, s6;
	s7 =	simm.s32 @p2 $0x1082  }
0x22: {  	[simem:s7], [sflag:s8] =	dma.local @!p0 [hbm:s6], $0xF7A  }
0x23: {  	s9 =	sor.u32 $0xD0000000, s2;
	s6 =	simm.s32 $0x108;
	_ =	swait.ge @!p0 [sflag:s8], $0x0  }
0x24: {  	s3 =	sadd.s32 $0x88, s3;
	s6 =	simm.s32 @!p1 $0x1082;
	[sflag:s4] =	ssyncset.s32 $0xFFFFF086  }
0x25: {  	[simem:s6], [sflag:s4] =	dma.local [hbm:s3], $0xF7A  }
0x26: {  	[smem:$0x3F9F] =	sst s1;
	(tag) =	ssettag s2;
	_ =	strace s9  }
0x27: {  	s1 =	sld [smem:$0x3FAF]  }
0x28: {  	s2 =	sld [smem:$0x3FB0]  }
0x29: {  	s4 =	sld [smem:$0x3FB2]  }
0x2a: {  	p0 =	seq.s32 s5, $0x0;
	s5 =	sld [smem:$0x3FB3]  }
0x2b: {  	s6 =	sld [smem:$0x3FB4]  }
0x2c: {  	s7 =	sld [smem:$0x3FB5]  }
0x2d: {  	s3 =	simm.s32 $0x108;
	s8 =	sld [smem:$0x3FB6]  }
0x2e: {  	s3 =	simm.s32 @!p0 $0x1082;
	s9 =	sld [smem:$0x3FB7]  }
0x2f: {  	lr =	sadd.s32 s0, s3;
	s0 =	sld [smem:$0x3FAE]  }
0x30: {  	s3 =	sld [smem:$0x3FB1]  }
0x31: {  	[smem:$0x3FBA] =	sst s10  }
0x32: {  	s10 =	sld [smem:$0x3FB8];
	_ =	sdelay $0x3  }
0x33: {  	p0 =	seq.s32 s10, $0x1;
	s10 =	sld [smem:$0x3FBA];
	_ =	sdelay $0x3  }
0x34: {  	[smem:$0x3FBA] =	sst s10  }
0x35: {  	s10 =	sld [smem:$0x3FB9];
	_ =	sdelay $0x3  }
0x36: {  	p1 =	seq.s32 s10, $0x1;
	s10 =	sld [smem:$0x3FBA];
	_ =	sdelay $0x3  }
0x37: {  	[smem:$0x3FBA] =	sst s10  }
0x38: {  	s10 =	sld [smem:$0x3FBB]  }
0x39: {  	_ = 	snop;
	(pc) =	sbr.ind lr, $3  }
0x3a: {  	_ = 	snop  }
0x3b: {  	_ = 	snop  }
0x3c: {  	p2 =	seq.s32 s10, $0x1;
	s10 =	sld [smem:$0x3FBA]  }
0x3d: {  	_ =	shalt  }
0x3e: {  	_ =	shalt  }
0x3f: {  	_ =	shalt  }
0x40: {  	_ =	shalt  }
0x41: {  	_ =	shalt  }
0x42: {  	_ =	shalt  }
0x43: {  	_ =	shalt  }
0x44: {  	_ =	shalt  }
0x45: {  	_ =	shalt  }
0x46: {  	_ =	shalt  }
0x47: {  	_ =	shalt  }
0x48: {  	_ =	shalt  }
0x49: {  	_ =	shalt  }
0x4a: {  	_ =	shalt  }
0x4b: {  	_ =	shalt  }
0x4c: {  	_ =	shalt  }
0x4d: {  	_ =	shalt  }
0x4e: {  	_ =	shalt  }
0x4f: {  	_ =	shalt  }
0x50: {  	_ =	shalt  }
0x51: {  	_ =	shalt  }
0x52: {  	_ =	shalt  }
0x53: {  	_ =	shalt  }
0x54: {  	_ =	shalt  }
0x55: {  	_ =	shalt  }
0x56: {  	_ =	shalt  }
0x57: {  	_ =	shalt  }
0x58: {  	_ =	shalt  }
0x59: {  	_ =	shalt  }
0x5a: {  	_ =	shalt  }
0x5b: {  	_ =	shalt  }
0x5c: {  	_ =	shalt  }
0x5d: {  	_ =	shalt  }
0x5e: {  	_ =	shalt  }
0x5f: {  	_ =	shalt  }
0x60: {  	_ =	shalt  }
0x61: {  	_ =	shalt  }
0x62: {  	_ =	shalt  }
0x63: {  	_ =	shalt  }
0x64: {  	_ =	shalt  }
0x65: {  	_ =	shalt  }
0x66: {  	_ =	shalt  }
0x67: {  	_ =	shalt  }
0x68: {  	_ =	shalt  }
0x69: {  	_ =	shalt  }
0x6a: {  	_ =	shalt  }
0x6b: {  	_ =	shalt  }
0x6c: {  	_ =	shalt  }
0x6d: {  	_ =	shalt  }
0x6e: {  	_ =	shalt  }
0x6f: {  	_ =	shalt  }
0x70: {  	_ =	shalt  }
0x71: {  	_ =	shalt  }
0x72: {  	_ =	shalt  }
0x73: {  	_ =	shalt  }
0x74: {  	_ =	shalt  }
0x75: {  	_ =	shalt  }
0x76: {  	_ =	shalt  }
0x77: {  	_ =	shalt  }
0x78: {  	_ =	shalt  }
0x79: {  	_ =	shalt  }
0x7a: {  	_ =	shalt  }
0x7b: {  	_ =	shalt  }
0x7c: {  	_ =	shalt  }
0x7d: {  	_ =	shalt  }
0x7e: {  	_ =	shalt  }
0x7f: {  	_ =	shalt  }
0x80: {  	_ =	shalt  }
0x81: {  	_ =	shalt  }
0x82: {  	_ =	shalt  }
0x83: {  	_ =	shalt  }
0x84: {  	_ =	shalt  }
0x85: {  	_ =	shalt  }
0x86: {  	_ =	shalt  }
0x87: {  	_ =	shalt  }
.Lfunc_end0:
.L_simem_size_0:
called_computation_lowered:
.L_overlay_start_0:
0x88: {  	s2 =	sld [smem:$0x3FD9]  }
0x89: {  	s3 =	sld [smem:$0x3FFE];
	_ =	sdelay $0x1  }
0x8a: {  	s1 =	srdreg.scid  }
0x8b: {  	s0 =	sand.u32 $0x1, s1  }
0x8c: {  	s17 =	sshll.u32 s0, $0xA;
	s2 =	sadd.s32 s3, s2  }
0x8d: {  	s2 =	sadd.s32 s2, s17  }
0x8e: {  	[smem:$0x3FC6] =	sst s2  }
0x8f: {  	_ = 	snop  }
0x90: {  	s2 =	sld [smem:$0x3FD0];
	(tm) =	ssettm $0x1  }
0x91: {  	s18 =	sld [smem:$0x3FFB];
	_ =	sdelay $0x3  }
0x92: {  	_ =	strace s18  }
0x93: {  	s3 =	sld [smem:$0x3FFC];
	_ =	sdelay $0x3  }
0x94: {  	_ =	strace s3  }
0x95: {  	s3 =	sld [smem:$0x3FFD];
	_ =	sdelay $0x3  }
0x96: {  	_ =	strace s3  }
0x97: {  	_ =	strace $0x8FFFFFFF  }
0x98: {  	s19 =	sld [smem:$0x3FDB];
	_ =	sdelay $0x1  }
0x99: {  	s4 =	simm.s32 $_scs_section_size  }
0x9a: {  	s5 =	simm.s32 $_size__tile_overlayer_lowered;
	s6 =	simm.s32 $_tile_overlayer_lowered  }
0x9b: {  	s22 =	simm.s32 $0x1BFF;
	s21 =	sshll.u32 s6, $0x1;
	s3 =	sadd.s32 s4, s19  }
0x9c: {  	s7 =	simm.s32 $0x0;
	s20 =	sshll.u32 s5, $0x1;
	s5 =	sadd.s32 s21, s3  }
0x9d: {  	[timem:s7], [sflag:s22] =	dma.local [hbm:s5], s20  }
0x9e: {  	_ =	swait.ge [sflag:s22], s20  }
0x9f: {  	s4 =	ssub.s32 $0x0, s20;
	[sflag:s22] =	ssyncset.done $0x0  }
0xa0: {  	[sflag:s22] =	ssyncadd.s32 s4;
	_ =	sdelay $0x1  }
0xa1: {  	s23 =	simm.s32 $0x1B8B  }
0xa2: {  	_ =	swait.ge [sflag:s23], $0x1  }
0xa3: {  	[sflag:s23] =	ssyncset.done $0x0  }
0xa4: {  	s25 =	simm.s32 $0x1B8E;
	s24 =	sld [smem:$0x3FFE];
	[sflag:s23] =	ssyncadd.s32 $0xFFFFFFFF  }
0xa5: {  	s26 =	simm.s32 $execute0_lowered;
	[smem:$0x3FD2] =	sst s25  }
0xa6: {  	s5 =	sshll.u32 s26, $0x1;
	_ =	strace $0x80000046;
	[dreg:$0x1] =	wrdreg $0xFFFFFFFF  }
0xa7: {  	s28 =	simm.s32 $_size_execute0_lowered;
	s3 =	sadd.s32 s3, s5;
	[dreg:$0x0] =	wrdreg $0x0  }
0xa8: {  	s5 =	sshll.u32 s28, $0x1;
	[dreg:$0x2] =	wrdreg s3  }
0xa9: {  	[dreg:$0x3] =	wrdreg s5  }
0xaa: {  	[dreg:$0x4] =	wrdreg $0xC0  }
0xab: {  	_ =	task [dreg:s7], $0x5FFFF  }
0xac: {  	[dreg:$0x1] =	wrdreg $0xFFFFFFFF  }
0xad: {  	[dreg:$0x0] =	wrdreg $0x60  }
0xae: {  	[dreg:$0x2] =	wrdreg s24  }
0xaf: {  	[dreg:$0x3] =	wrdreg s2  }
0xb0: {  	[dreg:$0x4] =	wrdreg $0x9  }
0xb1: {  	_ =	task.clear_ibuf [dreg:s7], $0x5FFFF;
	_ =	strace $0x90000046  }
0xb2: {  	s29 =	simm.s32 $0x9;
	_ =	strace $0x80000048  }
0xb3: {  	_ =	swait.ge [sflag:s29], $0x1  }
0xb4: {  	[sflag:s29] =	ssyncadd.s32 $0xFFFFFFFF  }
0xb5: {  	_ =	strace $0x90000048  }
0xb6: {  	_ =	sfence  }
0xb7: {  	s30 =	sld [smem:$0x0];
	_ =	sdelay $0x2  }
0xb8: {  	s31 =	sshll.u32 s1, $0xD;
	s1 =	sshrl.u32 s1, $0x2  }
0xb9: {  	s3 =	sand.u32 $0x4000, s31;
	s1 =	sadd.s32 s1, s30  }
0xba: {  	s0 =	sor.u32 s3, s0;
	s1 =	sshll.u32 s1, $0x11  }
0xbb: {  	s0 =	sor.u32 s1, s0  }
0xbc: {  	s0 =	sadd.s32 $0x8F2B, s0  }
0xbd: {  	[sflag:s0] =	ssyncadd.remote.s32 $0x1  }
0xbe: {  	_ =	sfence.sel $0xFFFF  }
0xbf: {  	[dreg:$0x0] =	wrdreg $0xFFFFFFFF;
	(pc) =	sbr.abs _section_cstart, $3  }
0xc0: {  	[dreg:$0x1] =	wrdreg $0xFFFFFFFF  }
0xc1: {  	_ =	task.clear_ibuf [dreg:s7], $0x2FFFF;
	_ =	strace $0x9FFFFFFF  }
0xc2: {  	(tm) =	ssettm $0x7FFFFFFF  }
0xc3: {  	_ =	shalt  }
tec
execute0_lowered:
.L_overlay_start_1:
0x0: {  	(tag) =	ssettag $0x1  }
0x1: {  	s5 =	rddreg [dreg:$0x0]  }
0x2: {  	s7 =	rddreg [dreg:$0x1]  }
0x3: {  	s0 =	rddreg [dreg:$0x2]  }
0x4: {  	s2 =	simm.s32 $0x0;
	s3 =	srdreg.scid;
	s1 =	stileid.u32  }
0x5: {  	s11 =	simm.s32 $0xC8;
	s12 =	simm.s32 $0xC800;
	s13 =	simm.s32 $0x12C00  }
0x6: {  	s14 =	simm.s32 $0x1;
	s15 =	simm.s32 $0x19000;
	s16 =	simm.s32 $0x2  }
0x7: {  	s17 =	simm.s32 $0x1C400;
	s18 =	simm.s32 $0x3;
	s19 =	simm.s32 $0x4  }
0x8: {  	[smem:$0x7FF] =	sst s2;
	s3 =	sand.u32 $0x1, s3;
	s4 =	sshll.u32 s1, $0x1  }
0x9: {  	s20 =	simm.s32 $0x0;
	_ =	strace $0x80000047;
	s8 =	sor.u32 s3, s4  }
0xa: {  	s6 =	ssub.s32 $0x2, s3;
	s3 =	sadd.s32 $0xF42C00, s5;
	s10 =	smul.u32 $0xC80, s8  }
0xb: {  	s4 =	sadd.s32 $0x200, s5;
	s5 =	sadd.s32 $0x1000, s5;
	s9 =	sshrl.u32 s6, $0x1  }
0xc: {  	s9 =	ssub.s32 s6, s9;
	s6 =	sshll.u32 s8, $0x7;
	s7 =	sadd.s32 s7, s10  }
0xd: {  	s8 =	smax.u32 s9, $0x1;
	s9 =	simm.s32 $0x5;
	s10 =	simm.s32 $0x6400  }
.LBB2_1:
0xe: {  	[tilespmem:s2], [sflag:$0x5] =	stream.linear.gather [hbm4b:s7+s2], $0x6400, $0x38;
	[tilespmem:$0x1F800] =	vst v63  }
0xf: {  	_ =	swait.ge [sflag:s9], $0x6400  }
0x10: {  	[sflag:s9] =	ssyncset.done $0x0  }
0x11: {  	[sflag:s9] =	ssyncadd.s32 $0xFFFF9C00  }
0x12: {  	[tilespmem:s10], [sflag:$0x5] =	stream.linear.gather [hbm4b:s4+s2], $0x6400, $0x38;
	[tilespmem:$0x1F800] =	vst v63  }
0x13: {  	_ =	swait.ge [sflag:s9], $0x6400  }
0x14: {  	[sflag:s9] =	ssyncset.done $0x0  }
0x15: {  	[sflag:s9] =	ssyncadd.s32 $0xFFFF9C00  }
0x16: {  	[tilespmem:s12], [sflag:$0x1] =	stream.indirect.gather [hbm4b:s3+s11], $0x80, s2, s11, $0xb8;
	[tilespmem:$0x1F800] =	vst v63  }
0x17: {  	s21 =	simm.s32 $0x0  }
0x18: {  	[tilespmem:s13], [sflag:$0x2] =	stream.indirect.gather [hbm4b:s3+s11], $0x80, s11, s11, $0xb8;
	[tilespmem:$0x1F800] =	vst v63  }
.LBB2_2:
0x19: {  	_ =	swait.ge [sflag:s14], $0x6400  }
0x1a: {  	p1 =	seq.s32 s21, $0x0;
	[sflag:s14] =	ssyncset.done $0x0  }
0x1b: {  	s22 =	simm.s32 @!p1 $0x3;
	[sflag:s14] =	ssyncadd.s32 $0xFFFF9C00  }
0x1c: {  	_ =	swait.ge @!p1 [sflag:s22], $0x3200  }
0x1d: {  	[sflag:s22] =	ssyncset.done @!p1 $0x0  }
0x1e: {  	s24 =	simm.s32 $0xB0;
	[sflag:s22] =	ssyncadd.s32 @!p1 $0xFFFFCE00  }
0x1f: {  	v0 =	vld [tilespmem:s24+$0xC750]  }
0x20: {  	v1 =	vld [tilespmem:s24+$0x6350];
	_ =	sdelay $0x4  }
0x21: {  	v0 =	vadd.f32 v1, v0  }
0x22: {  	s23 =	simm.s32 $0x19040  }
0x23: {  	[tilespmem:s23+$0xFFFFFFC0] =	vst v0  }
0x24: {  	v0 =	vld [tilespmem:s24+$0xC760]  }
0x25: {  	v58 =	vld [tilespmem:s24+$0x6360];
	_ =	sdelay $0x4  }
0x26: {  	v0 =	vadd.f32 v58, v0;
	_ =	sdelay $0x1  }
0x27: {  	[tilespmem:s23+$0xFFFFFFD0] =	vst v0  }
0x28: {  	v0 =	vld [tilespmem:s24+$0xC770]  }
0x29: {  	v59 =	vld [tilespmem:s24+$0x6370];
	_ =	sdelay $0x4  }
0x2a: {  	v0 =	vadd.f32 v59, v0;
	_ =	sdelay $0x1  }
0x2b: {  	[tilespmem:s23+$0xFFFFFFE0] =	vst v0  }
0x2c: {  	v0 =	vld [tilespmem:s24+$0xC780]  }
0x2d: {  	v60 =	vld [tilespmem:s24+$0x6380];
	_ =	sdelay $0x4  }
0x2e: {  	v0 =	vadd.f32 v60, v0;
	_ =	sdelay $0x1  }
0x2f: {  	[tilespmem:s23+$0xFFFFFFF0] =	vst v0  }
0x30: {  	v0 =	vld [tilespmem:s24+$0xC7D0]  }
0x31: {  	v61 =	vld [tilespmem:s24+$0x63D0];
	_ =	sdelay $0x4  }
0x32: {  	v0 =	vadd.f32 v61, v0;
	_ =	sdelay $0x1  }
0x33: {  	[tilespmem:s23+$0x0] =	vst v0  }
0x34: {  	v0 =	vld [tilespmem:s24+$0xC7E0]  }
0x35: {  	v62 =	vld [tilespmem:s24+$0x63E0];
	_ =	sdelay $0x4  }
0x36: {  	v0 =	vadd.f32 v62, v0;
	_ =	sdelay $0x1  }
0x37: {  	[tilespmem:s23+$0x10] =	vst v0  }
0x38: {  	v0 =	vld [tilespmem:s24+$0xC7F0]  }
0x39: {  	v63 =	vld [tilespmem:s24+$0x63F0];
	_ =	sdelay $0x4  }
0x3a: {  	v0 =	vadd.f32 v63, v0;
	_ =	sdelay $0x1  }
0x3b: {  	s26 =	simm.s32 $0x6C0;
	s25 =	simm.s32 $0x19040;
	s22 =	sshll.u32 s21, $0x1;
	[tilespmem:s23+$0x20] =	vst v0  }
.LBB2_3:
0x3c: {  	p0 =	sne.s32 s26, $0x18EC0  }
0x3d: {  	v0 =	vld [tilespmem:s24+$0xC800];
	s23 =	sadd.s32 $0x80, s23;
	s28 =	smov.u32 s26;
	s26 =	sadd.s32 $0x400, s26  }
0x3e: {  	v1 =	vld [tilespmem:s24+$0x6400];
	_ =	sdelay $0x4  }
0x3f: {  	v0 =	vadd.f32 v1, v0;
	_ =	sdelay $0x1  }
0x40: {  	s24 =	sshra.s32 s28, $0x2;
	[tilespmem:s25+$0x30] =	vst v0;
	s25 =	smov.u32 s23  }
0x41: {  	v0 =	vld [tilespmem:s24+$0xC750]  }
0x42: {  	v1 =	vld [tilespmem:s24+$0x6350];
	_ =	sdelay $0x4  }
0x43: {  	v0 =	vadd.f32 v1, v0;
	_ =	sdelay $0x1  }
0x44: {  	[tilespmem:s23+$0xFFFFFFC0] =	vst v0  }
0x45: {  	v0 =	vld [tilespmem:s24+$0xC760]  }
0x46: {  	v1 =	vld [tilespmem:s24+$0x6360];
	_ =	sdelay $0x4  }
0x47: {  	v0 =	vadd.f32 v1, v0;
	_ =	sdelay $0x1  }
0x48: {  	[tilespmem:s23+$0xFFFFFFD0] =	vst v0  }
0x49: {  	v0 =	vld [tilespmem:s24+$0xC770]  }
0x4a: {  	v1 =	vld [tilespmem:s24+$0x6370];
	_ =	sdelay $0x4  }
0x4b: {  	v0 =	vadd.f32 v1, v0;
	_ =	sdelay $0x1  }
0x4c: {  	[tilespmem:s23+$0xFFFFFFE0] =	vst v0  }
0x4d: {  	v0 =	vld [tilespmem:s24+$0xC780]  }
0x4e: {  	v1 =	vld [tilespmem:s24+$0x6380];
	_ =	sdelay $0x4  }
0x4f: {  	v0 =	vadd.f32 v1, v0;
	_ =	sdelay $0x1  }
0x50: {  	[tilespmem:s23+$0xFFFFFFF0] =	vst v0  }
0x51: {  	v0 =	vld [tilespmem:s24+$0xC7D0]  }
0x52: {  	v1 =	vld [tilespmem:s24+$0x63D0];
	_ =	sdelay $0x4  }
0x53: {  	v0 =	vadd.f32 v1, v0;
	_ =	sdelay $0x1  }
0x54: {  	[tilespmem:s23+$0x0] =	vst v0  }
0x55: {  	v0 =	vld [tilespmem:s24+$0xC7E0]  }
0x56: {  	v1 =	vld [tilespmem:s24+$0x63E0];
	_ =	sdelay $0x4  }
0x57: {  	v0 =	vadd.f32 v1, v0;
	_ =	sdelay $0x1  }
0x58: {  	[tilespmem:s23+$0x10] =	vst v0  }
0x59: {  	v0 =	vld [tilespmem:s24+$0xC7F0]  }
0x5a: {  	v1 =	vld [tilespmem:s24+$0x63F0];
	_ =	sdelay $0x2  }
.Ltmp0:
0x5b: {  	(pc) =	sbr.rel @p0 .LBB2_3-.Ltmp0, $3  }
0x5c: {  	_ = 	snop  }
0x5d: {  	v0 =	vadd.f32 v1, v0;
	_ =	sdelay $0x1  }
0x5e: {  	[tilespmem:s23+$0x20] =	vst v0  }
0x5f: {  	v0 =	vld [tilespmem:s24+$0xC800]  }
0x60: {  	v1 =	vld [tilespmem:s24+$0x6400];
	_ =	sdelay $0x2  }
0x61: {  	p0 =	seq.s32 s21, $0x3F  }
0x62: {  	s23 =	smul.u32 @!p0 $0x640, s21  }
0x63: {  	v0 =	vadd.f32 v1, v0  }
0x64: {  	s26 =	sadd.s32 s6, s22;
	s28 =	simm.s32 @!p0 $0xC800;
	s23 =	sshra.s32 @!p0 s23, $0x2  }
0x65: {  	s26 =	smul.u32 $0x680, s26;
	s24 =	sadd.s32 @!p0 $0x190, s23;
	[tilespmem:s25+$0x30] =	vst v0;
	s25 =	simm.s32 @!p0 $0xC8  }
0x66: {  	[tilespmem:s28], [sflag:$0x1] =	stream.indirect.gather @!p0 [hbm4b:s3+s25], $0x80, s24, s25, $0xb8;
	[tilespmem:$0x1F800] =	vst v63  }
0x67: {  	s31 =	sadd.s32 s5, s26  }
0x68: {  	[hbm4b:s31+s2] =	stream.linear.scatter [tilespmem:s15], [sflag:$0x3], $0x3200, $0x38;
	[tilespmem:$0x1F800] =	vst v63  }
0x69: {  	_ =	swait.ge [sflag:s16], $0x6400  }
0x6a: {  	[sflag:s16] =	ssyncset.done $0x0  }
0x6b: {  	s24 =	simm.s32 @!p1 $0x4;
	[sflag:s16] =	ssyncadd.s32 $0xFFFF9C00  }
0x6c: {  	_ =	swait.ge @!p1 [sflag:s24], $0x3200  }
0x6d: {  	[sflag:s24] =	ssyncset.done @!p1 $0x0  }
0x6e: {  	s25 =	simm.s32 $0xB0;
	[sflag:s24] =	ssyncadd.s32 @!p1 $0xFFFFCE00  }
0x6f: {  	v56 =	vld [tilespmem:s25+$0x12B50]  }
0x70: {  	v57 =	vld [tilespmem:s25+$0x6350];
	_ =	sdelay $0x4  }
0x71: {  	v0 =	vadd.f32 v57, v56  }
0x72: {  	s24 =	simm.s32 $0x1C440  }
0x73: {  	[tilespmem:s24+$0xFFFFFFC0] =	vst v0  }
0x74: {  	v0 =	vld [tilespmem:s25+$0x12B60]  }
0x75: {  	v58 =	vld [tilespmem:s25+$0x6360];
	_ =	sdelay $0x4  }
0x76: {  	v0 =	vadd.f32 v58, v0;
	_ =	sdelay $0x1  }
0x77: {  	[tilespmem:s24+$0xFFFFFFD0] =	vst v0  }
0x78: {  	v0 =	vld [tilespmem:s25+$0x12B70]  }
0x79: {  	v59 =	vld [tilespmem:s25+$0x6370];
	_ =	sdelay $0x4  }
0x7a: {  	v0 =	vadd.f32 v59, v0;
	_ =	sdelay $0x1  }
0x7b: {  	[tilespmem:s24+$0xFFFFFFE0] =	vst v0  }
0x7c: {  	v0 =	vld [tilespmem:s25+$0x12B80]  }
0x7d: {  	v60 =	vld [tilespmem:s25+$0x6380];
	_ =	sdelay $0x4  }
0x7e: {  	v0 =	vadd.f32 v60, v0;
	_ =	sdelay $0x1  }
0x7f: {  	[tilespmem:s24+$0xFFFFFFF0] =	vst v0  }
0x80: {  	v0 =	vld [tilespmem:s25+$0x12BD0]  }
0x81: {  	v61 =	vld [tilespmem:s25+$0x63D0];
	_ =	sdelay $0x4  }
0x82: {  	v0 =	vadd.f32 v61, v0;
	_ =	sdelay $0x1  }
0x83: {  	[tilespmem:s24+$0x0] =	vst v0  }
0x84: {  	v0 =	vld [tilespmem:s25+$0x12BE0]  }
0x85: {  	v62 =	vld [tilespmem:s25+$0x63E0];
	_ =	sdelay $0x4  }
0x86: {  	v0 =	vadd.f32 v62, v0;
	_ =	sdelay $0x1  }
0x87: {  	[tilespmem:s24+$0x10] =	vst v0  }
0x88: {  	v0 =	vld [tilespmem:s25+$0x12BF0]  }
0x89: {  	v63 =	vld [tilespmem:s25+$0x63F0];
	_ =	sdelay $0x4  }
0x8a: {  	v0 =	vadd.f32 v63, v0;
	_ =	sdelay $0x1  }
0x8b: {  	s22 =	sor.u32 $0x1, s22;
	s26 =	simm.s32 $0x1C440;
	s28 =	simm.s32 $0x6C0;
	[tilespmem:s24+$0x20] =	vst v0  }
.LBB2_5:
0x8c: {  	p1 =	sne.s32 s28, $0x18EC0  }
0x8d: {  	v0 =	vld [tilespmem:s25+$0x12C00];
	s24 =	sadd.s32 $0x80, s24;
	s29 =	smov.u32 s28;
	s28 =	sadd.s32 $0x400, s28  }
0x8e: {  	v1 =	vld [tilespmem:s25+$0x6400];
	_ =	sdelay $0x4  }
0x8f: {  	v0 =	vadd.f32 v1, v0;
	_ =	sdelay $0x1  }
0x90: {  	s25 =	sshra.s32 s29, $0x2;
	[tilespmem:s26+$0x30] =	vst v0;
	s26 =	smov.u32 s24  }
0x91: {  	v0 =	vld [tilespmem:s25+$0x12B50]  }
0x92: {  	v1 =	vld [tilespmem:s25+$0x6350];
	_ =	sdelay $0x4  }
0x93: {  	v0 =	vadd.f32 v1, v0;
	_ =	sdelay $0x1  }
0x94: {  	[tilespmem:s24+$0xFFFFFFC0] =	vst v0  }
0x95: {  	v0 =	vld [tilespmem:s25+$0x12B60]  }
0x96: {  	v1 =	vld [tilespmem:s25+$0x6360];
	_ =	sdelay $0x4  }
0x97: {  	v0 =	vadd.f32 v1, v0;
	_ =	sdelay $0x1  }
0x98: {  	[tilespmem:s24+$0xFFFFFFD0] =	vst v0  }
0x99: {  	v0 =	vld [tilespmem:s25+$0x12B70]  }
0x9a: {  	v1 =	vld [tilespmem:s25+$0x6370];
	_ =	sdelay $0x4  }
0x9b: {  	v0 =	vadd.f32 v1, v0;
	_ =	sdelay $0x1  }
0x9c: {  	[tilespmem:s24+$0xFFFFFFE0] =	vst v0  }
0x9d: {  	v0 =	vld [tilespmem:s25+$0x12B80]  }
0x9e: {  	v1 =	vld [tilespmem:s25+$0x6380];
	_ =	sdelay $0x4  }
0x9f: {  	v0 =	vadd.f32 v1, v0;
	_ =	sdelay $0x1  }
0xa0: {  	[tilespmem:s24+$0xFFFFFFF0] =	vst v0  }
0xa1: {  	v0 =	vld [tilespmem:s25+$0x12BD0]  }
0xa2: {  	v1 =	vld [tilespmem:s25+$0x63D0];
	_ =	sdelay $0x4  }
0xa3: {  	v0 =	vadd.f32 v1, v0;
	_ =	sdelay $0x1  }
0xa4: {  	[tilespmem:s24+$0x0] =	vst v0  }
0xa5: {  	v0 =	vld [tilespmem:s25+$0x12BE0]  }
0xa6: {  	v1 =	vld [tilespmem:s25+$0x63E0];
	_ =	sdelay $0x4  }
0xa7: {  	v0 =	vadd.f32 v1, v0;
	_ =	sdelay $0x1  }
0xa8: {  	[tilespmem:s24+$0x10] =	vst v0  }
0xa9: {  	v0 =	vld [tilespmem:s25+$0x12BF0]  }
0xaa: {  	v1 =	vld [tilespmem:s25+$0x63F0];
	_ =	sdelay $0x2  }
.Ltmp1:
0xab: {  	(pc) =	sbr.rel @p1 .LBB2_5-.Ltmp1, $3  }
0xac: {  	_ = 	snop  }
0xad: {  	v0 =	vadd.f32 v1, v0;
	_ =	sdelay $0x1  }
0xae: {  	[tilespmem:s24+$0x20] =	vst v0  }
0xaf: {  	v0 =	vld [tilespmem:s25+$0x12C00]  }
0xb0: {  	v1 =	vld [tilespmem:s25+$0x6400];
	_ =	sdelay $0x4  }
0xb1: {  	v0 =	vadd.f32 v1, v0  }
0xb2: {  	s23 =	sadd.s32 @!p0 $0x258, s23  }
0xb3: {  	s24 =	simm.s32 @!p0 $0xC8;
	s25 =	simm.s32 @!p0 $0x12C00;
	s21 =	sadd.s32 $0x1, s21;
	[tilespmem:s26+$0x30] =	vst v0  }
0xb4: {  	[tilespmem:s25], [sflag:$0x2] =	stream.indirect.gather @!p0 [hbm4b:s3+s24], $0x80, s23, s24, $0xb8;
	[tilespmem:$0x1F800] =	vst v63  }
0xb5: {  	p0 =	sne.s32 s21, $0x40  }
.Ltmp2:
0xb6: {  	s22 =	sadd.s32 s6, s22;
	(pc) =	sbr.rel @p0 .LBB2_2-.Ltmp2, $3  }
0xb7: {  	s22 =	smul.u32 $0x680, s22;
	_ =	sdelay $0x1  }
0xb8: {  	s22 =	sadd.s32 s5, s22  }
0xb9: {  	[hbm4b:s22+s2] =	stream.linear.scatter [tilespmem:s17], [sflag:$0x4], $0x3200, $0x38;
	[tilespmem:$0x1F800] =	vst v63  }
0xba: {  	s20 =	sadd.s32 $0x1, s20  }
0xbb: {  	_ =	swait.ge [sflag:s18], $0x3200;
	p0 =	sne.s32 s20, s8  }
.Ltmp3:
0xbc: {  	[sflag:s18] =	ssyncset.done $0x0;
	(pc) =	sbr.rel @p0 .LBB2_1-.Ltmp3, $4  }
0xbd: {  	[sflag:s18] =	ssyncadd.s32 $0xFFFFCE00  }
0xbe: {  	_ =	swait.ge [sflag:s19], $0x3200  }
0xbf: {  	[sflag:s19] =	ssyncset.done $0x0  }
0xc0: {  	[sflag:s19] =	ssyncadd.s32 $0xFFFFCE00  }
0xc1: {  	_ =	sfence.sel $0x180000  }
0xc2: {  	[bflag:$0x0] =	sbarrier.arrive $0xFFFF  }
0xc3: {  	p0 =	sne.s32 s1, $0x0;
	_ =	strace $0x90000047  }
0xc4: {  	s0 =	sadd.s32 @!p0 $0x100000, s0;
	[bflag:$0x2] =	sbarrier.arrive $0xFFFF  }
0xc5: {  	[sflag:s0] =	ssyncadd.tile.s32 @!p0 $0x1;
	_ =	shalt  }
.Lfunc_end2:
_tile_overlayer_lowered:
.L_overlay_start_2:
0xc6: {  	(tag) =	ssettag $0x2  }
0xc7: {  	s0 =	rddreg [dreg:$0x0];
	s2 =	stileid.u32  }
0xc8: {  	s1 =	rddreg [dreg:$0x1];
	p0 =	sne.s32 s2, $0x0  }
0xc9: {  	s3 =	rddreg [dreg:$0x2];
	[bflag:$0x3] =	sbarrier.arrive $0xFFFF;
	s2 =	simm.s32 @!p0 $0x1C05  }
0xca: {  	[timem:s3], [sflag:s2] =	dma.local @!p0 [hbm:s0], s1  }
0xcb: {  	s0 =	simm.s32 @!p0 $0x5  }
0xcc: {  	_ =	swait.ge @!p0 [sflag:s0], s1  }
0xcd: {  	s1 =	ssub.s32 @!p0 $0x0, s1;
	[sflag:s0] =	ssyncset.done @!p0 $0x0  }
0xce: {  	[sflag:s0] =	ssyncadd.s32 @!p0 s1  }
0xcf: {  	[bflag:$0x3] =	sbarrier.arrive $0xFFFF  }
0xd0: {  	_ =	shalt  }

</sc_bundles>
